<compile_context>
chip_gen: v7x
topology: tpu7x:2x2x1
jax: 0.10.2.dev20260603
libtpu: 0.0.44.dev20260713+nightly
codegen_flags: <defaults>
</compile_context>

<pallas_src>
import functools
import math

import jax
import jax.numpy as jnp
from jax import lax
from jax.experimental import pallas as pl
from jax.experimental.pallas import tpu as pltpu
from jax.experimental.pallas import tpu_sc as plsc

_N = 10000
_E = 320000
_D = 128
_NPAD = 10240
_NBLK = _NPAD // 128
_BI = 1024
_GRID = _NPAD // _BI

_NC = 2
_NS = 16
_NW = _NC * _NS
_CHUNK = _NPAD // _NW
_EFLAT = 2 * _E
_ECHUNK = 20480
_ESTRIDE = 19968


def _score_body(x_ref, w_ref, b_ref, s_ref, m_ref):
    i = pl.program_id(0)
    xb = x_ref[...]
    w = w_ref[...]
    wnorm = jnp.sqrt(jnp.sum(w * w))
    s = jnp.dot(xb, w.reshape(_D, 1), preferred_element_type=jnp.float32)
    s = (s + b_ref[0]) / wnorm
    s_ref[...] = s
    ids = i * _BI + lax.broadcasted_iota(jnp.int32, (_BI, 1), 0)
    idf = lax.bitcast_convert_type(ids, jnp.float32)
    m_ref[...] = jnp.concatenate(
        [idf, jnp.tanh(s), jnp.zeros((_BI, _D - 2), jnp.float32)], axis=1)


def _scores(x_pad, W, b):
    return pl.pallas_call(
        _score_body,
        grid=(_GRID,),
        in_specs=[
            pl.BlockSpec((_BI, _D), lambda i: (i, 0)),
            pl.BlockSpec((1, _D), lambda i: (0, 0)),
            pl.BlockSpec(memory_space=pltpu.SMEM),
        ],
        out_specs=[
            pl.BlockSpec((_BI, 1), lambda i: (i, 0)),
            pl.BlockSpec((_BI, _D), lambda i: (i, 0)),
        ],
        out_shape=[
            jax.ShapeDtypeStruct((_NPAD, 1), jnp.float32),
            jax.ShapeDtypeStruct((_NPAD, _D), jnp.float32),
        ],
    )(x_pad, W, b)


def _rank_body(si_ref, sj_ref, sum_c_ref, sum_r_ref, acc_r):
    i = pl.program_id(0)
    j = pl.program_id(1)

    @pl.when((i == 0) & (j == 0))
    def _():
        acc_r[...] = jnp.zeros((1, _NPAD), jnp.float32)

    @pl.when(j >= i)
    def _():
        ii = i * _BI + lax.broadcasted_iota(jnp.int32, (_BI, 1), 0)
        jj = j * _BI + lax.broadcasted_iota(jnp.int32, (1, _BI), 1)
        neg = jnp.float32(-jnp.inf)
        si = jnp.where(ii < _N, si_ref[...], neg)
        sj = jnp.where(jj < _N, sj_ref[...], neg)
        gt = sj > si

        @pl.when(j == i)
        def _():
            cb = (gt | ((sj == si) & (jj < ii))).astype(jnp.float32)
            sum_c_ref[...] = jnp.sum(cb, axis=1, keepdims=True)

        @pl.when(j > i)
        def _():
            cb = gt.astype(jnp.float32)
            sum_c_ref[...] += jnp.sum(cb, axis=1, keepdims=True)
            cs = jnp.float32(_BI) - jnp.sum(cb, axis=0, keepdims=True)
            acc_r[:, pl.ds(j * _BI, _BI)] += cs

    @pl.when((i == _GRID - 1) & (j == _GRID - 1))
    def _():
        sum_r_ref[...] = acc_r[...]


def _ranks(scores_col, scores_row):
    return pl.pallas_call(
        _rank_body,
        grid=(_GRID, _GRID),
        in_specs=[
            pl.BlockSpec((_BI, 1), lambda i, j: (i, 0)),
            pl.BlockSpec((1, _BI), lambda i, j: (0, j)),
        ],
        out_specs=[
            pl.BlockSpec((_BI, 1), lambda i, j: (i, 0)),
            pl.BlockSpec((1, _NPAD), lambda i, j: (0, 0)),
        ],
        out_shape=[
            jax.ShapeDtypeStruct((_NPAD, 1), jnp.float32),
            jax.ShapeDtypeStruct((1, _NPAD), jnp.float32),
        ],
        scratch_shapes=[pltpu.VMEM((1, _NPAD), jnp.float32)],
    )(scores_col, scores_row)


def _sc_body(x_hbm, rank_hbm, msrc_hbm, edge_hbm,
             xnew_hbm, meta_hbm, eout_hbm,
             rank_v, x_v, meta_v, eidx_v, eout_v, sh_rank,
             sem_stage, sem_e, sem_sc, sem_g):
    sid = lax.axis_index("s")
    wid = sid * _NC + lax.axis_index("c")
    base = jnp.minimum(wid * _CHUNK, _N - _CHUNK)
    erow = wid // 16
    ecol = (wid % 16) * _ESTRIDE

    cp_e = pltpu.make_async_copy(
        edge_hbm.at[erow, pl.ds(ecol, _ECHUNK)], eidx_v, sem_e)
    cp_e.start()

    @pl.when(sid == 0)
    def _():
        pltpu.sync_copy(rank_hbm, sh_rank)
    plsc.subcore_barrier()
    cp_r = pltpu.make_async_copy(
        rank_hbm.at[pl.ds(base, _CHUNK)], rank_v, sem_stage)
    cp_r.start()
    cp_x = pltpu.make_async_copy(
        x_hbm.at[pl.ds(base, _CHUNK), :], x_v, sem_stage)
    cp_x.start()
    cp_m = pltpu.make_async_copy(
        msrc_hbm.at[pl.ds(base, _CHUNK), :], meta_v, sem_stage)
    cp_m.start()

    cp_r.wait()
    cp_x.wait()
    cp_m.wait()

    sc_x = pltpu.make_async_copy(x_v, xnew_hbm.at[rank_v], sem_sc)
    sc_x.start()
    sc_m = pltpu.make_async_copy(meta_v, meta_hbm.at[rank_v], sem_sc)
    sc_m.start()

    cp_e.wait()
    g = pltpu.make_async_copy(sh_rank.at[eidx_v], eout_v, sem_g)
    g.start()
    g.wait()
    pltpu.sync_copy(eout_v, eout_hbm.at[erow, pl.ds(ecol, _ECHUNK)])

    sc_x.wait()
    sc_m.wait()


@functools.cache
def _make_sc_scatter():
    return functools.partial(
        pl.kernel,
        out_type=[
            jax.ShapeDtypeStruct((_N, _D), jnp.float32),
            jax.ShapeDtypeStruct((_N, _D), jnp.float32),
            jax.ShapeDtypeStruct((2, _E), jnp.int32),
        ],
        mesh=plsc.VectorSubcoreMesh(
            core_axis_name="c", subcore_axis_name="s",
            num_cores=_NC, num_subcores=_NS),
        scratch_types=[
            pltpu.VMEM((_CHUNK,), jnp.int32),
            pltpu.VMEM((_CHUNK, _D), jnp.float32),
            pltpu.VMEM((_CHUNK, _D), jnp.float32),
            pltpu.VMEM((_ECHUNK,), jnp.int32),
            pltpu.VMEM((_ECHUNK,), jnp.int32),
            pltpu.VMEM_SHARED((_NPAD,), jnp.int32),
            pltpu.SemaphoreType.DMA,
            pltpu.SemaphoreType.DMA,
            pltpu.SemaphoreType.DMA,
            pltpu.SemaphoreType.DMA,
        ],
    )(_sc_body)


@jax.jit
def kernel(x, edge_index, epoch, W, b):
    scores_col, meta_src = _scores(x, W, b)

    sum_c, sum_r = _ranks(scores_col, scores_col.reshape(1, _NPAD))
    rank_pad = jnp.clip(
        (sum_c.reshape(_NPAD) + sum_r.reshape(_NPAD)).astype(jnp.int32),
        0, _N - 1)

    x_new, meta, new_edge_index = _make_sc_scatter()(
        x, rank_pad, meta_src, edge_index)

    scores = scores_col.reshape(_NPAD)[:_N]
    perm = lax.bitcast_convert_type(meta[:, 0], jnp.int32)
    scores_ranked = meta[:, 1:2]
    return (x_new, new_edge_index, scores, perm, scores_ranked)

# --- scband reference (transcript-rebuilt; emitter-appended) ---
"""Pipeline reference for scband-skip-pool-25890062861053 (READ-ONLY COPY).

The authoritative reference and input builder live on the scoring server;
editing this copy changes nothing except your own understanding.
"""

import jax, jax.numpy as jnp
import numpy as np
import math

N = 10000
E = 320000
D = 128
INIT_RATIO = 0.99999  # TopKPool scorer keeps the ratio passed at construction
LAST_RATIO = 0.5
TOT_EPOCHS = 100
TAU_A = 10.0
TAU_B = 0.1


def setup_inputs(seed: int = 0) -> dict:
    key = jax.random.key(seed)
    k1, k2, k3, k4 = jax.random.split(key, 4)
    x = jax.random.normal(k1, (N, D), dtype=jnp.float32)
    edge_index = jax.random.randint(k2, (2, E), 0, N, dtype=jnp.int32)
    epoch = 10
    # TopKPool score layer: Linear(in_channels, 1) -> weight [1, D], bias [1]
    W = jax.random.normal(k3, (1, D), dtype=jnp.float32) * 0.1
    b = jax.random.normal(k4, (1,), dtype=jnp.float32) * 0.1
    return {"x": x, "edge_index": edge_index, "epoch": epoch, "W": W, "b": b}


def reference(x, edge_index, epoch, W, b):
    num_nodes = x.shape[0]
    # TopKPool scorer: scores = Linear(x).squeeze() / ||W||   (dropout p=0 -> Identity)
    scores = (x @ W.T + b).reshape(-1) / jnp.linalg.norm(W)
    # topk(scores, ratio, batch) with a single graph: k = ceil(ratio * N)
    k = int(math.ceil(INIT_RATIO * num_nodes))  # = N here (ratio ~ 1)
    top_vals, perm = jax.lax.top_k(scores, k)
    x_new = x[perm]
    # filter_adj: relabel kept nodes, drop edges touching removed nodes
    mask = jnp.full((num_nodes,), -1, dtype=jnp.int32).at[perm].set(jnp.arange(k, dtype=jnp.int32))
    row = mask[edge_index[0]]
    col = mask[edge_index[1]]
    keep = (row >= 0) & (col >= 0)  # all True when k == N
    new_edge_index = jnp.stack([jnp.where(keep, row, -1), jnp.where(keep, col, -1)])
    # SKipPool: scores_ranked = non_linearity(scores[perm]).view(-1, 1)
    scores_ranked = jnp.tanh(scores[perm]).reshape(-1, 1)
    # annealed temperature (scalar, used downstream in soft skipping)
    tau0 = TAU_A * (TAU_B / TAU_A) ** (epoch / TOT_EPOCHS)
    return (x_new, new_edge_index, scores, perm, scores_ranked)

if __name__ == "__main__":
    import jax
    _d = setup_inputs()
    print(jax.jit(kernel)(*tuple(_d.values())))

</pallas_src>

<mosaic_0001>
#map = affine_map<(d0, d1) -> (0, 0)>
#map1 = affine_map<(d0, d1) -> (0)>
module attributes {stable_mosaic.version = 14 : i64} {
  func.func @_sc_body(%arg0: i32, %arg1: i32, %arg2: memref<10000x128xf32, #tpu.memory_space<hbm>>, %arg3: memref<10240xi32, #tpu.memory_space<hbm>>, %arg4: memref<10240x128xf32, #tpu.memory_space<hbm>>, %arg5: memref<2x320000xi32, #tpu.memory_space<hbm>>, %arg6: memref<10000x128xf32, #tpu.memory_space<hbm>>, %arg7: memref<10000x128xf32, #tpu.memory_space<hbm>>, %arg8: memref<2x320000xi32, #tpu.memory_space<hbm>>, %arg9: memref<320xi32, #tpu.memory_space<vmem>>, %arg10: memref<320x128xf32, #tpu.memory_space<vmem>>, %arg11: memref<320x128xf32, #tpu.memory_space<vmem>>, %arg12: memref<20480xi32, #tpu.memory_space<vmem>>, %arg13: memref<20480xi32, #tpu.memory_space<vmem>>, %arg14: memref<10240xi32, #tpu.memory_space<vmem_shared>>, %arg15: memref<!tpu.dma_semaphore, #tpu.memory_space<semaphore_mem>>, %arg16: memref<!tpu.dma_semaphore, #tpu.memory_space<semaphore_mem>>, %arg17: memref<!tpu.dma_semaphore, #tpu.memory_space<semaphore_mem>>, %arg18: memref<!tpu.dma_semaphore, #tpu.memory_space<semaphore_mem>>) attributes {dimension_semantics = [#tpu.dimension_semantics<core_parallel>, #tpu.dimension_semantics<subcore_parallel>], iteration_bounds = array<i64: 2, 16>, scalar_prefetch = 0 : i64, scratch_operands = 10 : i64, tpu.core_type = #tpu.core_type<sc_vector_subcore>, window_params = [{transform_indices = #map}, {transform_indices = #map1}, {transform_indices = #map}, {transform_indices = #map}, {transform_indices = #map}, {transform_indices = #map}, {transform_indices = #map}]} {
    %mul3A = arith.constant 2 : i32
    %mul3A_0 = arith.muli %arg1, %mul3A : i32
    %add3A = arith.addi %mul3A_0, %arg0 : i32
    %mul3A_1 = arith.constant 320 : i32
    %mul3A_2 = arith.muli %add3A, %mul3A_1 : i32
    %min3A = arith.constant 9680 : i32
    %min3A_3 = arith.minsi %mul3A_2, %min3A : i32
    %jit3A = arith.constant 16 : i32
    %div3A = arith.divsi %add3A, %jit3A : i32
    %sign3A = arith.constant 0 : i32
    %sign3A_4 = arith.cmpi sgt, %add3A, %sign3A : i32
    %sign3A_5 = arith.extui %sign3A_4 : i1 to i32
    %sign3A_6 = arith.constant 0 : i32
    %sign3A_7 = arith.cmpi slt, %add3A, %sign3A_6 : i32
    %sign3A_8 = arith.extui %sign3A_7 : i1 to i32
    %sign3A_9 = arith.subi %sign3A_5, %sign3A_8 : i32
    %sign3A_10 = arith.constant 0 : i32
    %sign3A_11 = arith.cmpi sgt, %jit3A, %sign3A_10 : i32
    %sign3A_12 = arith.extui %sign3A_11 : i1 to i32
    %sign3A_13 = arith.constant 0 : i32
    %sign3A_14 = arith.cmpi slt, %jit3A, %sign3A_13 : i32
    %sign3A_15 = arith.extui %sign3A_14 : i1 to i32
    %sign3A_16 = arith.subi %sign3A_12, %sign3A_15 : i32
    %ne3A = arith.cmpi ne, %sign3A_9, %sign3A_16 : i32
    %rem3A = arith.remsi %add3A, %jit3A : i32
    %ne3A_17 = arith.constant 0 : i32
    %ne3A_18 = arith.cmpi ne, %rem3A, %ne3A_17 : i32
    %and3A = arith.andi %ne3A, %ne3A_18 : i1
    %sub3A = arith.constant 1 : i32
    %sub3A_19 = arith.subi %div3A, %sub3A : i32
    %select_n3A = arith.select %and3A, %sub3A_19, %div3A : i32
    %jit3A_20 = arith.constant 16 : i32
    %eq3A = arith.constant 0 : i32
    %eq3A_21 = arith.cmpi eq, %jit3A_20, %eq3A : i32
    %jit3A_22 = arith.constant 1 : i32
    %select_n3A_23 = arith.select %eq3A_21, %jit3A_22, %jit3A_20 : i32
    %rem3A_24 = arith.remsi %add3A, %select_n3A_23 : i32
    %ne3A_25 = arith.constant 0 : i32
    %ne3A_26 = arith.cmpi ne, %rem3A_24, %ne3A_25 : i32
    %lt3A = arith.constant 0 : i32
    %lt3A_27 = arith.cmpi slt, %rem3A_24, %lt3A : i32
    %lt3A_28 = arith.constant 0 : i32
    %lt3A_29 = arith.cmpi slt, %select_n3A_23, %lt3A_28 : i32
    %ne3A_30 = arith.xori %lt3A_27, %lt3A_29 : i1
    %and3A_31 = arith.andi %ne3A_30, %ne3A_26 : i1
    %add3A_32 = arith.addi %rem3A_24, %select_n3A_23 : i32
    %select_n3A_33 = arith.select %and3A_31, %add3A_32, %rem3A_24 : i32
    %mul3A_34 = arith.constant 19968 : i32
    %mul3A_35 = arith.muli %select_n3A_33, %mul3A_34 : i32
    %dma_start3A = tpu.memref_slice %arg5[%select_n3A, %mul3A_35] : memref<2x320000xi32, #tpu.memory_space<hbm>> -> memref<1x20480xi32, #tpu.memory_space<hbm>>
    %dma_start3A_36 = tpu.memref_squeeze %dma_start3A : memref<1x20480xi32, #tpu.memory_space<hbm>> -> memref<20480xi32, #tpu.memory_space<hbm>>
    %dma_start3A_37 = tpu.memref_slice %arg5[%select_n3A, %mul3A_35] : memref<2x320000xi32, #tpu.memory_space<hbm>> -> memref<1x20480xi32, #tpu.memory_space<hbm>>
    %dma_start3A_38 = tpu.memref_squeeze %dma_start3A_37 : memref<1x20480xi32, #tpu.memory_space<hbm>> -> memref<20480xi32, #tpu.memory_space<hbm>>
    tpu.enqueue_dma source(%dma_start3A_38 : memref<20480xi32, #tpu.memory_space<hbm>>) target(%arg12 : memref<20480xi32, #tpu.memory_space<vmem>>) target_semaphore(%arg16 : memref<!tpu.dma_semaphore, #tpu.memory_space<semaphore_mem>>)
    %eq3A_39 = arith.constant 0 : i32
    %eq3A_40 = arith.cmpi eq, %arg1, %eq3A_39 : i32
    %convert_element_type3A = arith.extui %eq3A_40 : i1 to i32
    %cond3A = arith.constant 0 : i32
    %cond3A_41 = arith.cmpi ne, %convert_element_type3A, %cond3A : i32
    scf.if %cond3A_41 {
      "tpu.region"() ({
        %run_scoped3A = tpu.sem_alloc : memref<!tpu.dma_semaphore, #tpu.memory_space<semaphore_mem>>
        tpu.enqueue_dma source(%arg3 : memref<10240xi32, #tpu.memory_space<hbm>>) target(%arg14 : memref<10240xi32, #tpu.memory_space<vmem_shared>>) target_semaphore(%run_scoped3A : memref<!tpu.dma_semaphore, #tpu.memory_space<semaphore_mem>>)
        tpu.wait_dma2 semaphore(%run_scoped3A : memref<!tpu.dma_semaphore, #tpu.memory_space<semaphore_mem>>) src(%arg3 : memref<10240xi32, #tpu.memory_space<hbm>>) dst(%arg14 : memref<10240xi32, #tpu.memory_space<vmem_shared>>)
        tpu.yield
      }) : () -> ()
    } else {
    }
    %barrier3A = arith.constant 0 : index
    tpu.barrier barrier_id(%barrier3A)
    %dma_start3A_42 = tpu.memref_slice %arg3[%min3A_3] : memref<10240xi32, #tpu.memory_space<hbm>> -> memref<320xi32, #tpu.memory_space<hbm>>
    %dma_start3A_43 = tpu.memref_slice %arg3[%min3A_3] : memref<10240xi32, #tpu.memory_space<hbm>> -> memref<320xi32, #tpu.memory_space<hbm>>
    tpu.enqueue_dma source(%dma_start3A_43 : memref<320xi32, #tpu.memory_space<hbm>>) target(%arg9 : memref<320xi32, #tpu.memory_space<vmem>>) target_semaphore(%arg15 : memref<!tpu.dma_semaphore, #tpu.memory_space<semaphore_mem>>)
    %dma_start3A_44 = arith.constant 0 : i32
    %dma_start3A_45 = tpu.memref_slice %arg2[%min3A_3, %dma_start3A_44] : memref<10000x128xf32, #tpu.memory_space<hbm>> -> memref<320x128xf32, #tpu.memory_space<hbm>>
    %dma_start3A_46 = arith.constant 0 : i32
    %dma_start3A_47 = tpu.memref_slice %arg2[%min3A_3, %dma_start3A_46] : memref<10000x128xf32, #tpu.memory_space<hbm>> -> memref<320x128xf32, #tpu.memory_space<hbm>>
    tpu.enqueue_dma source(%dma_start3A_47 : memref<320x128xf32, #tpu.memory_space<hbm>>) target(%arg10 : memref<320x128xf32, #tpu.memory_space<vmem>>) target_semaphore(%arg15 : memref<!tpu.dma_semaphore, #tpu.memory_space<semaphore_mem>>)
    %dma_start3A_48 = arith.constant 0 : i32
    %dma_start3A_49 = tpu.memref_slice %arg4[%min3A_3, %dma_start3A_48] : memref<10240x128xf32, #tpu.memory_space<hbm>> -> memref<320x128xf32, #tpu.memory_space<hbm>>
    %dma_start3A_50 = arith.constant 0 : i32
    %dma_start3A_51 = tpu.memref_slice %arg4[%min3A_3, %dma_start3A_50] : memref<10240x128xf32, #tpu.memory_space<hbm>> -> memref<320x128xf32, #tpu.memory_space<hbm>>
    tpu.enqueue_dma source(%dma_start3A_51 : memref<320x128xf32, #tpu.memory_space<hbm>>) target(%arg11 : memref<320x128xf32, #tpu.memory_space<vmem>>) target_semaphore(%arg15 : memref<!tpu.dma_semaphore, #tpu.memory_space<semaphore_mem>>)
    %dma_wait3A = tpu.memref_slice %arg3[%min3A_3] : memref<10240xi32, #tpu.memory_space<hbm>> -> memref<320xi32, #tpu.memory_space<hbm>>
    %dma_wait3A_52 = tpu.memref_slice %arg3[%min3A_3] : memref<10240xi32, #tpu.memory_space<hbm>> -> memref<320xi32, #tpu.memory_space<hbm>>
    tpu.wait_dma2 semaphore(%arg15 : memref<!tpu.dma_semaphore, #tpu.memory_space<semaphore_mem>>) src(%dma_wait3A_52 : memref<320xi32, #tpu.memory_space<hbm>>) dst(%arg9 : memref<320xi32, #tpu.memory_space<vmem>>)
    %dma_wait3A_53 = arith.constant 0 : i32
    %dma_wait3A_54 = tpu.memref_slice %arg2[%min3A_3, %dma_wait3A_53] : memref<10000x128xf32, #tpu.memory_space<hbm>> -> memref<320x128xf32, #tpu.memory_space<hbm>>
    %dma_wait3A_55 = arith.constant 0 : i32
    %dma_wait3A_56 = tpu.memref_slice %arg2[%min3A_3, %dma_wait3A_55] : memref<10000x128xf32, #tpu.memory_space<hbm>> -> memref<320x128xf32, #tpu.memory_space<hbm>>
    tpu.wait_dma2 semaphore(%arg15 : memref<!tpu.dma_semaphore, #tpu.memory_space<semaphore_mem>>) src(%dma_wait3A_56 : memref<320x128xf32, #tpu.memory_space<hbm>>) dst(%arg10 : memref<320x128xf32, #tpu.memory_space<vmem>>)
    %dma_wait3A_57 = arith.constant 0 : i32
    %dma_wait3A_58 = tpu.memref_slice %arg4[%min3A_3, %dma_wait3A_57] : memref<10240x128xf32, #tpu.memory_space<hbm>> -> memref<320x128xf32, #tpu.memory_space<hbm>>
    %dma_wait3A_59 = arith.constant 0 : i32
    %dma_wait3A_60 = tpu.memref_slice %arg4[%min3A_3, %dma_wait3A_59] : memref<10240x128xf32, #tpu.memory_space<hbm>> -> memref<320x128xf32, #tpu.memory_space<hbm>>
    tpu.wait_dma2 semaphore(%arg15 : memref<!tpu.dma_semaphore, #tpu.memory_space<semaphore_mem>>) src(%dma_wait3A_60 : memref<320x128xf32, #tpu.memory_space<hbm>>) dst(%arg11 : memref<320x128xf32, #tpu.memory_space<vmem>>)
    %dma_start3A_61 = arith.constant 0 : i32
    %dma_start3A_62 = arith.constant 0 : i32
    %dma_start3A_63 = tpu.memref_slice %arg6[%dma_start3A_61, %dma_start3A_62] : memref<10000x128xf32, #tpu.memory_space<hbm>> -> memref<10000x128xf32, #tpu.memory_space<hbm>>
    tpu.enqueue_indirect_dma source(%arg10 : memref<320x128xf32, #tpu.memory_space<vmem>>) target(%dma_start3A_63 : memref<10000x128xf32, #tpu.memory_space<hbm>>) offsets(%arg9 : memref<320xi32, #tpu.memory_space<vmem>>) semaphore(%arg17 : memref<!tpu.dma_semaphore, #tpu.memory_space<semaphore_mem>>)
    %dma_start3A_64 = arith.constant 0 : i32
    %dma_start3A_65 = arith.constant 0 : i32
    %dma_start3A_66 = tpu.memref_slice %arg7[%dma_start3A_64, %dma_start3A_65] : memref<10000x128xf32, #tpu.memory_space<hbm>> -> memref<10000x128xf32, #tpu.memory_space<hbm>>
    tpu.enqueue_indirect_dma source(%arg11 : memref<320x128xf32, #tpu.memory_space<vmem>>) target(%dma_start3A_66 : memref<10000x128xf32, #tpu.memory_space<hbm>>) offsets(%arg9 : memref<320xi32, #tpu.memory_space<vmem>>) semaphore(%arg17 : memref<!tpu.dma_semaphore, #tpu.memory_space<semaphore_mem>>)
    %dma_wait3A_67 = tpu.memref_slice %arg5[%select_n3A, %mul3A_35] : memref<2x320000xi32, #tpu.memory_space<hbm>> -> memref<1x20480xi32, #tpu.memory_space<hbm>>
    %dma_wait3A_68 = tpu.memref_squeeze %dma_wait3A_67 : memref<1x20480xi32, #tpu.memory_space<hbm>> -> memref<20480xi32, #tpu.memory_space<hbm>>
    %dma_wait3A_69 = tpu.memref_slice %arg5[%select_n3A, %mul3A_35] : memref<2x320000xi32, #tpu.memory_space<hbm>> -> memref<1x20480xi32, #tpu.memory_space<hbm>>
    %dma_wait3A_70 = tpu.memref_squeeze %dma_wait3A_69 : memref<1x20480xi32, #tpu.memory_space<hbm>> -> memref<20480xi32, #tpu.memory_space<hbm>>
    tpu.wait_dma2 semaphore(%arg16 : memref<!tpu.dma_semaphore, #tpu.memory_space<semaphore_mem>>) src(%dma_wait3A_70 : memref<20480xi32, #tpu.memory_space<hbm>>) dst(%arg12 : memref<20480xi32, #tpu.memory_space<vmem>>)
    %dma_start3A_71 = arith.constant 0 : i32
    %dma_start3A_72 = tpu.memref_slice %arg14[%dma_start3A_71] : memref<10240xi32, #tpu.memory_space<vmem_shared>> -> memref<10240xi32, #tpu.memory_space<vmem_shared>>
    tpu.enqueue_indirect_dma source(%dma_start3A_72 : memref<10240xi32, #tpu.memory_space<vmem_shared>>) target(%arg13 : memref<20480xi32, #tpu.memory_space<vmem>>) offsets(%arg12 : memref<20480xi32, #tpu.memory_space<vmem>>) semaphore(%arg18 : memref<!tpu.dma_semaphore, #tpu.memory_space<semaphore_mem>>)
    %dma_wait3A_73 = arith.constant 0 : i32
    %dma_wait3A_74 = tpu.memref_slice %arg14[%dma_wait3A_73] : memref<10240xi32, #tpu.memory_space<vmem_shared>> -> memref<10240xi32, #tpu.memory_space<vmem_shared>>
    tpu.wait_indirect_dma semaphore(%arg18 : memref<!tpu.dma_semaphore, #tpu.memory_space<semaphore_mem>>) src(%dma_wait3A_74 : memref<10240xi32, #tpu.memory_space<vmem_shared>>) dst(%arg13 : memref<20480xi32, #tpu.memory_space<vmem>>)
    "tpu.region"() ({
      %run_scoped3A = tpu.sem_alloc : memref<!tpu.dma_semaphore, #tpu.memory_space<semaphore_mem>>
      %dma_start3A_81 = tpu.memref_slice %arg8[%select_n3A, %mul3A_35] : memref<2x320000xi32, #tpu.memory_space<hbm>> -> memref<1x20480xi32, #tpu.memory_space<hbm>>
      %dma_start3A_82 = tpu.memref_squeeze %dma_start3A_81 : memref<1x20480xi32, #tpu.memory_space<hbm>> -> memref<20480xi32, #tpu.memory_space<hbm>>
      %dma_start3A_83 = tpu.memref_slice %arg8[%select_n3A, %mul3A_35] : memref<2x320000xi32, #tpu.memory_space<hbm>> -> memref<1x20480xi32, #tpu.memory_space<hbm>>
      %dma_start3A_84 = tpu.memref_squeeze %dma_start3A_83 : memref<1x20480xi32, #tpu.memory_space<hbm>> -> memref<20480xi32, #tpu.memory_space<hbm>>
      tpu.enqueue_dma source(%arg13 : memref<20480xi32, #tpu.memory_space<vmem>>) target(%dma_start3A_84 : memref<20480xi32, #tpu.memory_space<hbm>>) target_semaphore(%run_scoped3A : memref<!tpu.dma_semaphore, #tpu.memory_space<semaphore_mem>>)
      %dma_wait3A_85 = tpu.memref_slice %arg8[%select_n3A, %mul3A_35] : memref<2x320000xi32, #tpu.memory_space<hbm>> -> memref<1x20480xi32, #tpu.memory_space<hbm>>
      %dma_wait3A_86 = tpu.memref_squeeze %dma_wait3A_85 : memref<1x20480xi32, #tpu.memory_space<hbm>> -> memref<20480xi32, #tpu.memory_space<hbm>>
      %dma_wait3A_87 = tpu.memref_slice %arg8[%select_n3A, %mul3A_35] : memref<2x320000xi32, #tpu.memory_space<hbm>> -> memref<1x20480xi32, #tpu.memory_space<hbm>>
      %dma_wait3A_88 = tpu.memref_squeeze %dma_wait3A_87 : memref<1x20480xi32, #tpu.memory_space<hbm>> -> memref<20480xi32, #tpu.memory_space<hbm>>
      tpu.wait_dma2 semaphore(%run_scoped3A : memref<!tpu.dma_semaphore, #tpu.memory_space<semaphore_mem>>) src(%arg13 : memref<20480xi32, #tpu.memory_space<vmem>>) dst(%dma_wait3A_88 : memref<20480xi32, #tpu.memory_space<hbm>>)
      tpu.yield
    }) : () -> ()
    %dma_wait3A_75 = arith.constant 0 : i32
    %dma_wait3A_76 = arith.constant 0 : i32
    %dma_wait3A_77 = tpu.memref_slice %arg6[%dma_wait3A_75, %dma_wait3A_76] : memref<10000x128xf32, #tpu.memory_space<hbm>> -> memref<10000x128xf32, #tpu.memory_space<hbm>>
    tpu.wait_indirect_dma semaphore(%arg17 : memref<!tpu.dma_semaphore, #tpu.memory_space<semaphore_mem>>) src(%arg10 : memref<320x128xf32, #tpu.memory_space<vmem>>) dst(%dma_wait3A_77 : memref<10000x128xf32, #tpu.memory_space<hbm>>)
    %dma_wait3A_78 = arith.constant 0 : i32
    %dma_wait3A_79 = arith.constant 0 : i32
    %dma_wait3A_80 = tpu.memref_slice %arg7[%dma_wait3A_78, %dma_wait3A_79] : memref<10000x128xf32, #tpu.memory_space<hbm>> -> memref<10000x128xf32, #tpu.memory_space<hbm>>
    tpu.wait_indirect_dma semaphore(%arg17 : memref<!tpu.dma_semaphore, #tpu.memory_space<semaphore_mem>>) src(%arg11 : memref<320x128xf32, #tpu.memory_space<vmem>>) dst(%dma_wait3A_80 : memref<10000x128xf32, #tpu.memory_space<hbm>>)
    return
  }
}

module attributes {stable_mosaic.version = 14 : i64} {
  func.func @_rank_body(%arg0: i32, %arg1: i32, %arg2: memref<1024x1xf32, #tpu.memory_space<vmem>>, %arg3: memref<1x1024xf32, #tpu.memory_space<vmem>>, %arg4: memref<1024x1xf32, #tpu.memory_space<vmem>>, %arg5: memref<1x10240xf32, #tpu.memory_space<vmem>>, %arg6: memref<1x10240xf32, #tpu.memory_space<vmem>>) attributes {dimension_semantics = [#tpu.dimension_semantics<arbitrary>, #tpu.dimension_semantics<arbitrary>], iteration_bounds = array<i64: 10, 10>, scalar_prefetch = 0 : i64, scratch_operands = 1 : i64, tpu.core_type = #tpu.core_type<tc>, window_params = [{transform_indices = @transform_0, window_bounds = array<i64: 1024, 1>}, {transform_indices = @transform_1, window_bounds = array<i64: 1, 1024>}, {transform_indices = @transform_2, window_bounds = array<i64: 1024, 1>}, {pipeline_mode = #tpu.pipeline_mode<synchronous>, transform_indices = @transform_3, window_bounds = array<i64: 1, 10240>}]} {
    %eq3A = arith.constant 0 : i32
    %eq3A_0 = arith.cmpi eq, %arg0, %eq3A : i32
    %eq3A_1 = arith.constant 0 : i32
    %eq3A_2 = arith.cmpi eq, %arg1, %eq3A_1 : i32
    %and3A = arith.andi %eq3A_0, %eq3A_2 : i1
    %convert_element_type3A = arith.extui %and3A : i1 to i32
    %cond3A = arith.constant 0 : i32
    %cond3A_3 = arith.cmpi ne, %convert_element_type3A, %cond3A : i32
    scf.if %cond3A_3 {
      %broadcast_in_dim3A = arith.constant 0.000000e+00 : f32
      %broadcast_in_dim3A_15 = vector.broadcast %broadcast_in_dim3A : f32 to vector<1x10240xf32>
      %swap3A = arith.constant 0 : index
      %swap3A_16 = arith.constant 0 : index
      %swap3A_17 = vector.load %arg6[%swap3A, %swap3A_16] : memref<1x10240xf32, #tpu.memory_space<vmem>>, vector<1x10240xf32>
      tpu.vector_store %arg6[%swap3A, %swap3A_16], %broadcast_in_dim3A_15 {strides = array<i32>} : memref<1x10240xf32, #tpu.memory_space<vmem>>, vector<1x10240xf32>,
    } else {
    }
    %ge3A = arith.cmpi sge, %arg1, %arg0 : i32
    %convert_element_type3A_4 = arith.extui %ge3A : i1 to i32
    %cond3A_5 = arith.constant 0 : i32
    %cond3A_6 = arith.cmpi ne, %convert_element_type3A_4, %cond3A_5 : i32
    scf.if %cond3A_6 {
      %mul3A = arith.constant 1024 : i32
      %mul3A_15 = arith.muli %arg0, %mul3A : i32
      %iota3A = tpu.iota {dimensions = array<i32: 0>} : vector<1024x1xi32>
      %add3A = vector.broadcast %mul3A_15 : i32 to vector<1024x1xi32>
      %add3A_16 = arith.addi %add3A, %iota3A : vector<1024x1xi32>
      %mul3A_17 = arith.constant 1024 : i32
      %mul3A_18 = arith.muli %arg1, %mul3A_17 : i32
      %iota3A_19 = tpu.iota {dimensions = array<i32: 1>} : vector<1x1024xi32>
      %add3A_20 = vector.broadcast %mul3A_18 : i32 to vector<1x1024xi32>
      %add3A_21 = arith.addi %add3A_20, %iota3A_19 : vector<1x1024xi32>
      %lt3A = arith.constant 10000 : i32
      %lt3A_22 = vector.broadcast %lt3A : i32 to vector<1024x1xi32>
      %lt3A_23 = arith.cmpi slt, %add3A_16, %lt3A_22 : vector<1024x1xi32>
      %get3A = arith.constant 0 : index
      %get3A_24 = arith.constant 0 : index
      %get3A_25 = vector.load %arg2[%get3A, %get3A_24] : memref<1024x1xf32, #tpu.memory_space<vmem>>, vector<1024x1xf32>
      %jit3A = arith.constant 0xFF800000 : f32
      %broadcast_in_dim3A = vector.broadcast %jit3A : f32 to vector<1024x1xf32>
      %select_n3A = arith.select %lt3A_23, %get3A_25, %broadcast_in_dim3A : vector<1024x1xi1>, vector<1024x1xf32>
      %lt3A_26 = arith.constant 10000 : i32
      %lt3A_27 = vector.broadcast %lt3A_26 : i32 to vector<1x1024xi32>
      %lt3A_28 = arith.cmpi slt, %add3A_21, %lt3A_27 : vector<1x1024xi32>
      %get3A_29 = arith.constant 0 : index
      %get3A_30 = arith.constant 0 : index
      %get3A_31 = vector.load %arg3[%get3A_29, %get3A_30] : memref<1x1024xf32, #tpu.memory_space<vmem>>, vector<1x1024xf32>
      %jit3A_32 = arith.constant 0xFF800000 : f32
      %broadcast_in_dim3A_33 = vector.broadcast %jit3A_32 : f32 to vector<1x1024xf32>
      %select_n3A_34 = arith.select %lt3A_28, %get3A_31, %broadcast_in_dim3A_33 : vector<1x1024xi1>, vector<1x1024xf32>
      %gt3A = vector.broadcast %select_n3A_34 : vector<1x1024xf32> to vector<1024x1024xf32>
      %gt3A_35 = vector.broadcast %select_n3A : vector<1024x1xf32> to vector<1024x1024xf32>
      %gt3A_36 = arith.cmpf ogt, %gt3A, %gt3A_35 : vector<1024x1024xf32>
      %eq3A_37 = arith.cmpi eq, %arg1, %arg0 : i32
      %convert_element_type3A_38 = arith.extui %eq3A_37 : i1 to i32
      %cond3A_39 = arith.constant 0 : i32
      %cond3A_40 = arith.cmpi ne, %convert_element_type3A_38, %cond3A_39 : i32
      scf.if %cond3A_40 {
        %eq3A_45 = vector.broadcast %select_n3A_34 : vector<1x1024xf32> to vector<1024x1024xf32>
        %eq3A_46 = vector.broadcast %select_n3A : vector<1024x1xf32> to vector<1024x1024xf32>
        %eq3A_47 = arith.cmpf oeq, %eq3A_45, %eq3A_46 : vector<1024x1024xf32>
        %lt3A_48 = vector.broadcast %add3A_21 : vector<1x1024xi32> to vector<1024x1024xi32>
        %lt3A_49 = vector.broadcast %add3A_16 : vector<1024x1xi32> to vector<1024x1024xi32>
        %lt3A_50 = arith.cmpi slt, %lt3A_48, %lt3A_49 : vector<1024x1024xi32>
        %and3A_51 = arith.andi %eq3A_47, %lt3A_50 : vector<1024x1024xi1>
        %or3A = arith.ori %gt3A_36, %and3A_51 : vector<1024x1024xi1>
        %convert_element_type3A_52 = arith.extui %or3A : vector<1024x1024xi1> to vector<1024x1024xi32>
        %convert_element_type3A_53 = arith.sitofp %convert_element_type3A_52 : vector<1024x1024xi32> to vector<1024x1024xf32>
        %reduce_sum3A = arith.constant dense<0.000000e+00> : vector<1024xf32>
        %reduce_sum3A_54 = vector.multi_reduction <add>, %convert_element_type3A_53, %reduce_sum3A [1] : vector<1024x1024xf32> to vector<1024xf32>
        %broadcast_in_dim3A_55 = vector.shape_cast %reduce_sum3A_54 : vector<1024xf32> to vector<1024x1xf32>
        %swap3A = arith.constant 0 : index
        %swap3A_56 = arith.constant 0 : index
        %swap3A_57 = vector.load %arg4[%swap3A, %swap3A_56] : memref<1024x1xf32, #tpu.memory_space<vmem>>, vector<1024x1xf32>
        tpu.vector_store %arg4[%swap3A, %swap3A_56], %broadcast_in_dim3A_55 {strides = array<i32>} : memref<1024x1xf32, #tpu.memory_space<vmem>>, vector<1024x1xf32>,
      } else {
      }
      %gt3A_41 = arith.cmpi sgt, %arg1, %arg0 : i32
      %convert_element_type3A_42 = arith.extui %gt3A_41 : i1 to i32
      %cond3A_43 = arith.constant 0 : i32
      %cond3A_44 = arith.cmpi ne, %convert_element_type3A_42, %cond3A_43 : i32
      scf.if %cond3A_44 {
        %convert_element_type3A_45 = arith.extui %gt3A_36 : vector<1024x1024xi1> to vector<1024x1024xi32>
        %convert_element_type3A_46 = arith.sitofp %convert_element_type3A_45 : vector<1024x1024xi32> to vector<1024x1024xf32>
        %get3A_47 = arith.constant 0 : index
        %get3A_48 = arith.constant 0 : index
        %get3A_49 = vector.load %arg4[%get3A_47, %get3A_48] : memref<1024x1xf32, #tpu.memory_space<vmem>>, vector<1024x1xf32>
        %reduce_sum3A = arith.constant dense<0.000000e+00> : vector<1024xf32>
        %reduce_sum3A_50 = vector.multi_reduction <add>, %convert_element_type3A_46, %reduce_sum3A [1] : vector<1024x1024xf32> to vector<1024xf32>
        %broadcast_in_dim3A_51 = vector.shape_cast %reduce_sum3A_50 : vector<1024xf32> to vector<1024x1xf32>
        %add3A_52 = arith.addf %get3A_49, %broadcast_in_dim3A_51 : vector<1024x1xf32>
        %swap3A = arith.constant 0 : index
        %swap3A_53 = arith.constant 0 : index
        %swap3A_54 = vector.load %arg4[%swap3A, %swap3A_53] : memref<1024x1xf32, #tpu.memory_space<vmem>>, vector<1024x1xf32>
        tpu.vector_store %arg4[%swap3A, %swap3A_53], %add3A_52 {strides = array<i32>} : memref<1024x1xf32, #tpu.memory_space<vmem>>, vector<1024x1xf32>,
        %reduce_sum3A_55 = arith.constant dense<0.000000e+00> : vector<1024xf32>
        %reduce_sum3A_56 = vector.multi_reduction <add>, %convert_element_type3A_46, %reduce_sum3A_55 [0] : vector<1024x1024xf32> to vector<1024xf32>
        %broadcast_in_dim3A_57 = vector.shape_cast %reduce_sum3A_56 : vector<1024xf32> to vector<1x1024xf32>
        %sub3A = arith.constant 1.024000e+03 : f32
        %sub3A_58 = vector.broadcast %sub3A : f32 to vector<1x1024xf32>
        %sub3A_59 = arith.subf %sub3A_58, %broadcast_in_dim3A_57 : vector<1x1024xf32>
        %mul3A_60 = arith.constant 1024 : i32
        %mul3A_61 = arith.muli %arg1, %mul3A_60 : i32
        %get3A_62 = arith.constant 0 : index
        %get3A_63 = arith.index_cast %mul3A_61 : i32 to index
        %get3A_64 = vector.load %arg6[%get3A_62, %get3A_63] : memref<1x10240xf32, #tpu.memory_space<vmem>>, vector<1x1024xf32>
        %add3A_65 = arith.addf %get3A_64, %sub3A_59 : vector<1x1024xf32>
        %swap3A_66 = arith.constant 0 : index
        %swap3A_67 = arith.index_cast %mul3A_61 : i32 to index
        %swap3A_68 = vector.load %arg6[%swap3A_66, %swap3A_67] : memref<1x10240xf32, #tpu.memory_space<vmem>>, vector<1x1024xf32>
        tpu.vector_store %arg6[%swap3A_66, %swap3A_67], %add3A_65 {strides = array<i32>} : memref<1x10240xf32, #tpu.memory_space<vmem>>, vector<1x1024xf32>,
      } else {
      }
    } else {
    }
    %eq3A_7 = arith.constant 9 : i32
    %eq3A_8 = arith.cmpi eq, %arg0, %eq3A_7 : i32
    %eq3A_9 = arith.constant 9 : i32
    %eq3A_10 = arith.cmpi eq, %arg1, %eq3A_9 : i32
    %and3A_11 = arith.andi %eq3A_8, %eq3A_10 : i1
    %convert_element_type3A_12 = arith.extui %and3A_11 : i1 to i32
    %cond3A_13 = arith.constant 0 : i32
    %cond3A_14 = arith.cmpi ne, %convert_element_type3A_12, %cond3A_13 : i32
    scf.if %cond3A_14 {
      %get3A = arith.constant 0 : index
      %get3A_15 = arith.constant 0 : index
      %get3A_16 = vector.load %arg6[%get3A, %get3A_15] : memref<1x10240xf32, #tpu.memory_space<vmem>>, vector<1x10240xf32>
      %swap3A = arith.constant 0 : index
      %swap3A_17 = arith.constant 0 : index
      %swap3A_18 = vector.load %arg5[%swap3A, %swap3A_17] : memref<1x10240xf32, #tpu.memory_space<vmem>>, vector<1x10240xf32>
      tpu.vector_store %arg5[%swap3A, %swap3A_17], %get3A_16 {strides = array<i32>} : memref<1x10240xf32, #tpu.memory_space<vmem>>, vector<1x10240xf32>,
    } else {
    }
    return
  }
  func.func @transform_0(%arg0: i32, %arg1: i32) -> (i32, i32) {
    %c0_i32 = arith.constant 0 : i32
    %c0_i32_0 = arith.constant 0 : i32
    return %arg0, %c0_i32 : i32, i32
  }
  func.func @transform_1(%arg0: i32, %arg1: i32) -> (i32, i32) {
    %c0_i32 = arith.constant 0 : i32
    %c0_i32_0 = arith.constant 0 : i32
    return %c0_i32, %arg1 : i32, i32
  }
  func.func @transform_2(%arg0: i32, %arg1: i32) -> (i32, i32) {
    %c0_i32 = arith.constant 0 : i32
    %c0_i32_0 = arith.constant 0 : i32
    return %arg0, %c0_i32 : i32, i32
  }
  func.func @transform_3(%arg0: i32, %arg1: i32) -> (i32, i32) {
    %c0_i32 = arith.constant 0 : i32
    %c0_i32_0 = arith.constant 0 : i32
    %c0_i32_1 = arith.constant 0 : i32
    return %c0_i32, %c0_i32_0 : i32, i32
  }
}

module attributes {stable_mosaic.version = 14 : i64} {
  func.func @_score_body(%arg0: i32, %arg1: memref<1024x128xf32, #tpu.memory_space<vmem>>, %arg2: memref<1x128xf32, #tpu.memory_space<vmem>>, %arg3: memref<1xf32, #tpu.memory_space<smem>>, %arg4: memref<1024x1xf32, #tpu.memory_space<vmem>>, %arg5: memref<1024x128xf32, #tpu.memory_space<vmem>>) attributes {dimension_semantics = [#tpu.dimension_semantics<arbitrary>], iteration_bounds = array<i64: 10>, scalar_prefetch = 0 : i64, scratch_operands = 0 : i64, tpu.core_type = #tpu.core_type<tc>, window_params = [{transform_indices = @transform_0, window_bounds = array<i64: 1024, 128>}, {pipeline_mode = #tpu.pipeline_mode<synchronous>, transform_indices = @transform_1, window_bounds = array<i64: 1, 128>}, {transform_indices = @transform_2, window_bounds = array<i64: 1>}, {transform_indices = @transform_3, window_bounds = array<i64: 1024, 1>}, {transform_indices = @transform_4, window_bounds = array<i64: 1024, 128>}]} {
    %get3A = arith.constant 0 : index
    %get3A_0 = arith.constant 0 : index
    %get3A_1 = vector.load %arg1[%get3A, %get3A_0] : memref<1024x128xf32, #tpu.memory_space<vmem>>, vector<1024x128xf32>
    %get3A_2 = arith.constant 0 : index
    %get3A_3 = arith.constant 0 : index
    %get3A_4 = vector.load %arg2[%get3A_2, %get3A_3] : memref<1x128xf32, #tpu.memory_space<vmem>>, vector<1x128xf32>
    %mul3A = arith.mulf %get3A_4, %get3A_4 : vector<1x128xf32>
    %reduce_sum3A = vector.shape_cast %mul3A : vector<1x128xf32> to vector<1x1x128xf32>
    %reduce_sum3A_5 = arith.constant dense<0.000000e+00> : vector<1xf32>
    %reduce_sum3A_6 = vector.multi_reduction <add>, %reduce_sum3A, %reduce_sum3A_5 [1, 2] : vector<1x1x128xf32> to vector<1xf32>
    %reduce_sum3A_7 = vector.shape_cast %reduce_sum3A_6 : vector<1xf32> to vector<1x1x1xf32>
    %reduce_sum3A_8 = vector.extract %reduce_sum3A_7[0, 0, 0] : f32 from vector<1x1x1xf32>
    %sqrt3A = math.sqrt %reduce_sum3A_8 : f32
    %reshape3A = vector.shape_cast %get3A_4 : vector<1x128xf32> to vector<128x1xf32>
    %dot_general3A = arith.constant dense<0.000000e+00> : vector<1024x1xf32>
    %dot_general3A_9 = tpu.matmul %get3A_1, %reshape3A, %dot_general3A {dimension_numbers = #tpu.dot_dimension_numbers<[1], [0], [0], [1], [0, 0, 1, 1], [], []>, transpose_lhs_hint = false} : vector<1024x128xf32>, vector<128x1xf32>, vector<1024x1xf32> -> vector<1024x1xf32>
    %get3A_10 = arith.constant 0 : index
    %get3A_11 = memref.load %arg3[%get3A_10] : memref<1xf32, #tpu.memory_space<smem>>
    %add3A = vector.broadcast %get3A_11 : f32 to vector<1024x1xf32>
    %add3A_12 = arith.addf %dot_general3A_9, %add3A : vector<1024x1xf32>
    %div3A = vector.broadcast %sqrt3A : f32 to vector<1024x1xf32>
    %div3A_13 = arith.divf %add3A_12, %div3A : vector<1024x1xf32>
    %swap3A = arith.constant 0 : index
    %swap3A_14 = arith.constant 0 : index
    %swap3A_15 = vector.load %arg4[%swap3A, %swap3A_14] : memref<1024x1xf32, #tpu.memory_space<vmem>>, vector<1024x1xf32>
    tpu.vector_store %arg4[%swap3A, %swap3A_14], %div3A_13 {strides = array<i32>} : memref<1024x1xf32, #tpu.memory_space<vmem>>, vector<1024x1xf32>,
    %mul3A_16 = arith.constant 1024 : i32
    %mul3A_17 = arith.muli %arg0, %mul3A_16 : i32
    %iota3A = tpu.iota {dimensions = array<i32: 0>} : vector<1024x1xi32>
    %add3A_18 = vector.broadcast %mul3A_17 : i32 to vector<1024x1xi32>
    %add3A_19 = arith.addi %add3A_18, %iota3A : vector<1024x1xi32>
    %bitcast_convert_type3A = tpu.bitcast %add3A_19 : vector<1024x1xi32> -> vector<1024x1xf32>
    %tanh3A = math.tanh %div3A_13 : vector<1024x1xf32>
    %broadcast_in_dim3A = arith.constant 0.000000e+00 : f32
    %broadcast_in_dim3A_20 = vector.broadcast %broadcast_in_dim3A : f32 to vector<1024x126xf32>
    %concatenate3A = tpu.concatenate %bitcast_convert_type3A, %tanh3A, %broadcast_in_dim3A_20 in 1 : vector<1024x1xf32>, vector<1024x1xf32>, vector<1024x126xf32> -> vector<1024x128xf32>
    %swap3A_21 = arith.constant 0 : index
    %swap3A_22 = arith.constant 0 : index
    %swap3A_23 = vector.load %arg5[%swap3A_21, %swap3A_22] : memref<1024x128xf32, #tpu.memory_space<vmem>>, vector<1024x128xf32>
    tpu.vector_store %arg5[%swap3A_21, %swap3A_22], %concatenate3A {strides = array<i32>} : memref<1024x128xf32, #tpu.memory_space<vmem>>, vector<1024x128xf32>,
    return
  }
  func.func @transform_0(%arg0: i32) -> (i32, i32) {
    %c0_i32 = arith.constant 0 : i32
    %c0_i32_0 = arith.constant 0 : i32
    return %arg0, %c0_i32 : i32, i32
  }
  func.func @transform_1(%arg0: i32) -> (i32, i32) {
    %c0_i32 = arith.constant 0 : i32
    %c0_i32_0 = arith.constant 0 : i32
    %c0_i32_1 = arith.constant 0 : i32
    return %c0_i32, %c0_i32_0 : i32, i32
  }
  func.func @transform_2(%arg0: i32) -> i32 {
    %c0_i32 = arith.constant 0 : i32
    %c0_i32_0 = arith.constant 0 : i32
    return %c0_i32 : i32
  }
  func.func @transform_3(%arg0: i32) -> (i32, i32) {
    %c0_i32 = arith.constant 0 : i32
    %c0_i32_0 = arith.constant 0 : i32
    return %arg0, %c0_i32 : i32, i32
  }
  func.func @transform_4(%arg0: i32) -> (i32, i32) {
    %c0_i32 = arith.constant 0 : i32
    %c0_i32_0 = arith.constant 0 : i32
    return %arg0, %c0_i32 : i32, i32
  }
}

</mosaic_0001>

<sc_bundles>
// kernel: kernel.5.cloned.1.call-start
scs
__scs_entry_jumppad:
0x0: {  	(pc) =	sbr.rel $0x88, $3  }
0x1: {  	(tag) =	ssettag $0x0;
	lr =	simm.s32 $0x1  }
0x2: {  	[smem:$0x3F9D] =	sst lr;
	_ =	strace $0xD0000000  }
0x3: {  	_ = 	snop  }
0x4: {  	_ = 	snop  }
0x5: {  	_ = 	snop  }
0x6: {  	_ = 	snop  }
0x7: {  	_ = 	snop  }
__scs_overlays_trampoline_lowered:
0x8: {  	[smem:$0x3FAC] =	sst s0  }
0x9: {  	[smem:$0x3FAD] =	sst s1  }
0xa: {  	[smem:$0x3FAE] =	sst s2  }
0xb: {  	[smem:$0x3FAF] =	sst s3  }
0xc: {  	[smem:$0x3FB0] =	sst s4  }
0xd: {  	[smem:$0x3FB1] =	sst s5  }
0xe: {  	[smem:$0x3FB2] =	sst s6  }
0xf: {  	[smem:$0x3FB3] =	sst s7  }
0x10: {  	[smem:$0x3FB4] =	sst s8  }
0x11: {  	[smem:$0x3FB5] =	sst s9;
	s0 =	simm.s32 @!p0 $0x0  }
0x12: {  	s1 =	sld [smem:$0x3F9B];
	s0 =	simm.s32 @p0 $0x1  }
0x13: {  	[smem:$0x3FB6] =	sst s0;
	s0 =	simm.s32 @!p1 $0x0  }
0x14: {  	s2 =	sld [smem:$0x3F9A];
	s0 =	simm.s32 @p1 $0x1  }
0x15: {  	[smem:$0x3FB7] =	sst s0;
	s0 =	simm.s32 @!p2 $0x0  }
0x16: {  	s3 =	sld [smem:$0x3FDB];
	s0 =	simm.s32 @p2 $0x1  }
0x17: {  	s4 =	simm.s32 $0x1BF5;
	[smem:$0x3FB9] =	sst s0  }
0x18: {  	s0 =	sld [smem:$0x3F9C];
	_ =	swait.ge [sflag:s4], $0x0  }
0x19: {  	s7 =	sld [smem:$0x3F9D]  }
0x1a: {  	s8 =	sadd.s32 $0xFFFFE003, lr  }
0x1b: {  	s9 =	sadd.s32 $0xFFFFFEF7, lr;
	s5 =	simm.s32 $0xFFFFFFFF;
	p2 =	slt.u32 s8, $0xFFFFF086  }
0x1c: {  	p1 =	slt.u32 s9, $0xF7A;
	s5 =	simm.s32 @!p2 $0x0  }
0x1d: {  	s5 =	simm.s32 @p1 $0x1;
	p0 =	seq.s32 s7, s2  }
0x1e: {  	s7 =	smul.u32 @!p0 $0xF7A, s2;
	p2 =	seq.s32 @!p0 s5, $0x0  }
0x1f: {  	s9 =	smul.u32 $0xF7A, s1;
	s8 =	simm.s32 @!p0 $0x1BF5;
	p2 =	por !p2, p0  }
0x20: {  	[sflag:s8] =	ssyncset.s32 @!p0 $0xFFFFF086;
	s6 =	sadd.s32 @!p0 s3, s7;
	s7 =	simm.s32 @!p0 $0x108  }
0x21: {  	s3 =	sadd.s32 s3, s9;
	s6 =	sadd.s32 @!p0 $0x88, s6;
	s7 =	simm.s32 @p2 $0x1082  }
0x22: {  	[simem:s7], [sflag:s8] =	dma.local @!p0 [hbm:s6], $0xF7A  }
0x23: {  	s9 =	sor.u32 $0xD0000000, s2;
	s6 =	simm.s32 $0x108;
	_ =	swait.ge @!p0 [sflag:s8], $0x0  }
0x24: {  	s3 =	sadd.s32 $0x88, s3;
	s6 =	simm.s32 @!p1 $0x1082;
	[sflag:s4] =	ssyncset.s32 $0xFFFFF086  }
0x25: {  	[simem:s6], [sflag:s4] =	dma.local [hbm:s3], $0xF7A  }
0x26: {  	[smem:$0x3F9D] =	sst s1;
	(tag) =	ssettag s2;
	_ =	strace s9  }
0x27: {  	s1 =	sld [smem:$0x3FAD]  }
0x28: {  	s2 =	sld [smem:$0x3FAE]  }
0x29: {  	s4 =	sld [smem:$0x3FB0]  }
0x2a: {  	p0 =	seq.s32 s5, $0x0;
	s5 =	sld [smem:$0x3FB1]  }
0x2b: {  	s6 =	sld [smem:$0x3FB2]  }
0x2c: {  	s7 =	sld [smem:$0x3FB3]  }
0x2d: {  	s3 =	simm.s32 $0x108;
	s8 =	sld [smem:$0x3FB4]  }
0x2e: {  	s3 =	simm.s32 @!p0 $0x1082;
	s9 =	sld [smem:$0x3FB5]  }
0x2f: {  	lr =	sadd.s32 s0, s3;
	s0 =	sld [smem:$0x3FAC]  }
0x30: {  	s3 =	sld [smem:$0x3FAF]  }
0x31: {  	[smem:$0x3FB8] =	sst s10  }
0x32: {  	s10 =	sld [smem:$0x3FB6];
	_ =	sdelay $0x3  }
0x33: {  	p0 =	seq.s32 s10, $0x1;
	s10 =	sld [smem:$0x3FB8];
	_ =	sdelay $0x3  }
0x34: {  	[smem:$0x3FB8] =	sst s10  }
0x35: {  	s10 =	sld [smem:$0x3FB7];
	_ =	sdelay $0x3  }
0x36: {  	p1 =	seq.s32 s10, $0x1;
	s10 =	sld [smem:$0x3FB8];
	_ =	sdelay $0x3  }
0x37: {  	[smem:$0x3FB8] =	sst s10  }
0x38: {  	s10 =	sld [smem:$0x3FB9]  }
0x39: {  	_ = 	snop;
	(pc) =	sbr.ind lr, $3  }
0x3a: {  	_ = 	snop  }
0x3b: {  	_ = 	snop  }
0x3c: {  	p2 =	seq.s32 s10, $0x1;
	s10 =	sld [smem:$0x3FB8]  }
0x3d: {  	_ =	shalt  }
0x3e: {  	_ =	shalt  }
0x3f: {  	_ =	shalt  }
0x40: {  	_ =	shalt  }
0x41: {  	_ =	shalt  }
0x42: {  	_ =	shalt  }
0x43: {  	_ =	shalt  }
0x44: {  	_ =	shalt  }
0x45: {  	_ =	shalt  }
0x46: {  	_ =	shalt  }
0x47: {  	_ =	shalt  }
0x48: {  	_ =	shalt  }
0x49: {  	_ =	shalt  }
0x4a: {  	_ =	shalt  }
0x4b: {  	_ =	shalt  }
0x4c: {  	_ =	shalt  }
0x4d: {  	_ =	shalt  }
0x4e: {  	_ =	shalt  }
0x4f: {  	_ =	shalt  }
0x50: {  	_ =	shalt  }
0x51: {  	_ =	shalt  }
0x52: {  	_ =	shalt  }
0x53: {  	_ =	shalt  }
0x54: {  	_ =	shalt  }
0x55: {  	_ =	shalt  }
0x56: {  	_ =	shalt  }
0x57: {  	_ =	shalt  }
0x58: {  	_ =	shalt  }
0x59: {  	_ =	shalt  }
0x5a: {  	_ =	shalt  }
0x5b: {  	_ =	shalt  }
0x5c: {  	_ =	shalt  }
0x5d: {  	_ =	shalt  }
0x5e: {  	_ =	shalt  }
0x5f: {  	_ =	shalt  }
0x60: {  	_ =	shalt  }
0x61: {  	_ =	shalt  }
0x62: {  	_ =	shalt  }
0x63: {  	_ =	shalt  }
0x64: {  	_ =	shalt  }
0x65: {  	_ =	shalt  }
0x66: {  	_ =	shalt  }
0x67: {  	_ =	shalt  }
0x68: {  	_ =	shalt  }
0x69: {  	_ =	shalt  }
0x6a: {  	_ =	shalt  }
0x6b: {  	_ =	shalt  }
0x6c: {  	_ =	shalt  }
0x6d: {  	_ =	shalt  }
0x6e: {  	_ =	shalt  }
0x6f: {  	_ =	shalt  }
0x70: {  	_ =	shalt  }
0x71: {  	_ =	shalt  }
0x72: {  	_ =	shalt  }
0x73: {  	_ =	shalt  }
0x74: {  	_ =	shalt  }
0x75: {  	_ =	shalt  }
0x76: {  	_ =	shalt  }
0x77: {  	_ =	shalt  }
0x78: {  	_ =	shalt  }
0x79: {  	_ =	shalt  }
0x7a: {  	_ =	shalt  }
0x7b: {  	_ =	shalt  }
0x7c: {  	_ =	shalt  }
0x7d: {  	_ =	shalt  }
0x7e: {  	_ =	shalt  }
0x7f: {  	_ =	shalt  }
0x80: {  	_ =	shalt  }
0x81: {  	_ =	shalt  }
0x82: {  	_ =	shalt  }
0x83: {  	_ =	shalt  }
0x84: {  	_ =	shalt  }
0x85: {  	_ =	shalt  }
0x86: {  	_ =	shalt  }
0x87: {  	_ =	shalt  }
.Lfunc_end0:
.L_simem_size_0:
called_computation_lowered:
.L_overlay_start_0:
0x88: {  	s2 =	sld [smem:$0x3FD9]  }
0x89: {  	s3 =	sld [smem:$0x3FFE];
	_ =	sdelay $0x1  }
0x8a: {  	s1 =	srdreg.scid  }
0x8b: {  	s0 =	sand.u32 $0x1, s1  }
0x8c: {  	s14 =	sshll.u32 s0, $0xA;
	s2 =	sadd.s32 s3, s2  }
0x8d: {  	s2 =	sadd.s32 s2, s14  }
0x8e: {  	[smem:$0x3FC4] =	sst s2  }
0x8f: {  	_ = 	snop  }
0x90: {  	s2 =	sld [smem:$0x3FD0];
	_ =	sdelay $0x1  }
0x91: {  	s15 =	sld [smem:$0x3FC9]  }
0x92: {  	s5 =	simm.s32 $0xA;
	s6 =	simm.s32 $0x10;
	s4 =	sld [smem:$0x3FC8]  }
0x93: {  	[smem:s6], [sflag:s5] =	dma.local [hbm:s2], $0x1  }
0x94: {  	_ =	swait.eq [sflag:s5], $0x1  }
0x95: {  	s16 =	sld [smem:$0x10];
	[sflag:s5] =	ssyncset.done $0x0  }
0x96: {  	s17 =	sld [smem:$0x11];
	[sflag:s5] =	ssyncadd.s32 $0xFFFFFFFF  }
0x97: {  	s18 =	sld [smem:$0x13];
	(tm) =	ssettm $0x1  }
0x98: {  	s7 =	sld [smem:$0x3FFB];
	_ =	sdelay $0x3  }
0x99: {  	_ =	strace s7  }
0x9a: {  	s7 =	sld [smem:$0x3FFC];
	_ =	sdelay $0x3  }
0x9b: {  	_ =	strace s7  }
0x9c: {  	s7 =	sld [smem:$0x3FFD];
	_ =	sdelay $0x3  }
0x9d: {  	_ =	strace s7  }
0x9e: {  	_ =	strace $0x8FFFFFFF  }
0x9f: {  	s19 =	sld [smem:$0x3FDB];
	_ =	sdelay $0x1  }
0xa0: {  	s8 =	simm.s32 $_scs_section_size  }
0xa1: {  	s9 =	simm.s32 $_size__tile_overlayer_lowered;
	s10 =	simm.s32 $_tile_overlayer_lowered  }
0xa2: {  	s22 =	simm.s32 $0x1BFF;
	s21 =	sshll.u32 s10, $0x1;
	s7 =	sadd.s32 s8, s19  }
0xa3: {  	s11 =	simm.s32 $0x0;
	s20 =	sshll.u32 s9, $0x1;
	s9 =	sadd.s32 s21, s7  }
0xa4: {  	[timem:s11], [sflag:s22] =	dma.local [hbm:s9], s20  }
0xa5: {  	_ =	swait.ge [sflag:s22], s20  }
0xa6: {  	s8 =	ssub.s32 $0x0, s20;
	[sflag:s22] =	ssyncset.done $0x0  }
0xa7: {  	[sflag:s22] =	ssyncadd.s32 s8;
	_ =	sdelay $0x1  }
0xa8: {  	s23 =	simm.s32 $0x1B8B  }
0xa9: {  	_ =	swait.ge [sflag:s23], $0x1  }
0xaa: {  	[sflag:s23] =	ssyncset.done $0x0  }
0xab: {  	s25 =	simm.s32 $0x1B8E;
	s24 =	sld [smem:$0x3FFE];
	[sflag:s23] =	ssyncadd.s32 $0xFFFFFFFF  }
0xac: {  	s26 =	simm.s32 $execute0_lowered;
	[smem:$0x3FD2] =	sst s25  }
0xad: {  	s9 =	sshll.u32 s26, $0x1;
	_ =	strace $0x80000046;
	[dreg:$0x1] =	wrdreg $0xFFFFFFFF  }
0xae: {  	s28 =	simm.s32 $_size_execute0_lowered;
	s7 =	sadd.s32 s7, s9;
	[dreg:$0x0] =	wrdreg $0x0  }
0xaf: {  	s9 =	sshll.u32 s28, $0x1;
	[dreg:$0x2] =	wrdreg s7  }
0xb0: {  	[dreg:$0x3] =	wrdreg s9  }
0xb1: {  	[dreg:$0x4] =	wrdreg $0xC0  }
0xb2: {  	_ =	task [dreg:s11], $0x5FFFF  }
0xb3: {  	[dreg:$0x1] =	wrdreg $0xFFFFFFFF  }
0xb4: {  	[dreg:$0x0] =	wrdreg $0x60  }
0xb5: {  	[dreg:$0x2] =	wrdreg s15  }
0xb6: {  	[dreg:$0x3] =	wrdreg s18  }
0xb7: {  	[dreg:$0x4] =	wrdreg s24  }
0xb8: {  	[dreg:$0x5] =	wrdreg s4  }
0xb9: {  	[dreg:$0x6] =	wrdreg s16  }
0xba: {  	[dreg:$0x7] =	wrdreg s17  }
0xbb: {  	[dreg:$0x8] =	wrdreg $0x1E1800  }
0xbc: {  	[dreg:$0x9] =	wrdreg $0x9  }
0xbd: {  	_ =	task.clear_ibuf [dreg:s11], $0xAFFFF;
	_ =	strace $0x90000046  }
0xbe: {  	s29 =	simm.s32 $0x9;
	_ =	strace $0x80000048  }
0xbf: {  	_ =	swait.ge [sflag:s29], $0x1  }
0xc0: {  	[sflag:s29] =	ssyncadd.s32 $0xFFFFFFFF  }
0xc1: {  	_ =	strace $0x90000048  }
0xc2: {  	_ =	sfence  }
0xc3: {  	s30 =	sld [smem:$0x0];
	_ =	sdelay $0x2  }
0xc4: {  	s31 =	sshll.u32 s1, $0xD;
	s1 =	sshrl.u32 s1, $0x2  }
0xc5: {  	s3 =	sand.u32 $0x4000, s31;
	s1 =	sadd.s32 s1, s30  }
0xc6: {  	s0 =	sor.u32 s3, s0;
	s1 =	sshll.u32 s1, $0x11  }
0xc7: {  	s0 =	sor.u32 s1, s0  }
0xc8: {  	s0 =	sadd.s32 $0x8F2B, s0  }
0xc9: {  	[sflag:s0] =	ssyncadd.remote.s32 $0x1  }
0xca: {  	_ =	sfence.sel $0xFFFF  }
0xcb: {  	[dreg:$0x0] =	wrdreg $0xFFFFFFFF;
	(pc) =	sbr.abs _section_cstart, $3  }
0xcc: {  	[dreg:$0x1] =	wrdreg $0xFFFFFFFF  }
0xcd: {  	_ =	task.clear_ibuf [dreg:s11], $0x2FFFF;
	_ =	strace $0x9FFFFFFF  }
0xce: {  	(tm) =	ssettm $0x7FFFFFFF  }
0xcf: {  	_ =	shalt  }
tec
execute0_lowered:
.L_overlay_start_1:
0x0: {  	(tag) =	ssettag $0x1  }
0x1: {  	s13 =	rddreg [dreg:$0x0]  }
0x2: {  	s0 =	rddreg [dreg:$0x1]  }
0x3: {  	s19 =	rddreg [dreg:$0x2]  }
0x4: {  	s1 =	srdreg.scid;
	s5 =	rddreg [dreg:$0x3]  }
0x5: {  	s6 =	stileid.u32;
	s24 =	rddreg [dreg:$0x5]  }
0x6: {  	s3 =	rddreg [dreg:$0x6];
	s26 =	sand.u32 $0x1, s1;
	s2 =	sshll.u32 s6, $0x1  }
0x7: {  	s4 =	simm.s32 $0x0;
	s1 =	rddreg [dreg:$0x4];
	s7 =	sor.u32 s26, s2  }
0x8: {  	s9 =	sshll.u32 s6, $0x4;
	[smem:$0x7FF] =	sst s4;
	s2 =	sand.u32 $0xF, s7  }
0x9: {  	p0 =	sne.s32 s6, $0x0;
	s6 =	simm.s32 $0x80;
	s8 =	smul.u32 $0x9C00, s2  }
0xa: {  	s9 =	sand.u32 $0x80, s9;
	s10 =	simm.s32 @!p0 $0x1C05;
	s11 =	simm.s32 @!p0 $0x5  }
0xb: {  	s12 =	smul.u32 $0x140, s7;
	s7 =	simm.s32 $0x100;
	s8 =	sor.u32 s9, s8  }
0xc: {  	s2 =	rddreg [dreg:$0x7];
	_ =	strace $0x80000047;
	s25 =	sshrl.u32 s8, $0x3  }
0xd: {  	s9 =	sshrl.u32 @!p0 s3, $0x3;
	s8 =	simm.s32 $0x14180;
	s5 =	sadd.s32 s5, s25  }
0xe: {  	[tilespmem:s8], [sflag:$0x2] =	stream.strided.gather [hbm4b:s5+s6], $0x5000, s7, s6, $0x38;
	[tilespmem:$0x1E400] =	vst v63  }
0xf: {  	[spmem:s9], [sflag:s10] =	dma.local @!p0 [hbm:s0], $0x500  }
0x10: {  	_ =	swait.ge @!p0 [sflag:s11], $0x500  }
0x11: {  	s14 =	smin.u32 s12, $0x25D0;
	[sflag:s11] =	ssyncset.done @!p0 $0x0  }
0x12: {  	s12 =	sshrl.u32 s14, $0x3;
	[sflag:s11] =	ssyncadd.s32 @!p0 $0xFFFFFB00  }
0x13: {  	s15 =	sshll.u32 s14, $0x4;
	s12 =	sadd.s32 s0, s12;
	[bflag:$0x0] =	sbarrier.arrive $0xFFFF  }
0x14: {  	[tilespmem:s4], [sflag:$0x1] =	stream.linear.gather [hbm4b:s12+s4], $0x140, $0x38;
	[tilespmem:$0x1E400] =	vst v63  }
0x15: {  	s14 =	simm.s32 $0x180;
	s13 =	sadd.s32 s13, s15  }
0x16: {  	[tilespmem:s14], [sflag:$0x1] =	stream.linear.gather [hbm4b:s13+s4], $0xA000, $0x38;
	[tilespmem:$0x1E400] =	vst v63  }
0x17: {  	s16 =	simm.s32 $0xA180;
	s17 =	simm.s32 $0x1;
	s15 =	sadd.s32 s19, s15  }
0x18: {  	[tilespmem:s16], [sflag:$0x1] =	stream.linear.gather [hbm4b:s15+s4], $0xA000, $0x38;
	[tilespmem:$0x1E400] =	vst v63  }
0x19: {  	_ =	swait.ge [sflag:s17], $0x140  }
0x1a: {  	[sflag:s17] =	ssyncset.done $0x0  }
0x1b: {  	[sflag:s17] =	ssyncadd.s32 $0xFFFFFEC0  }
0x1c: {  	_ =	swait.ge [sflag:s17], $0xA000  }
0x1d: {  	[sflag:s17] =	ssyncset.done $0x0  }
0x1e: {  	[sflag:s17] =	ssyncadd.s32 $0xFFFF6000  }
0x1f: {  	_ =	swait.ge [sflag:s17], $0xA000  }
0x20: {  	[sflag:s17] =	ssyncset.done $0x0  }
0x21: {  	s18 =	simm.s32 $0x140;
	[sflag:s17] =	ssyncadd.s32 $0xFFFF6000  }
0x22: {  	[hbm4b:s1+s18] =	stream.indirect.scatter [tilespmem:s14], [sflag:$0x3], $0x80, s4, s18, $0xb8;
	[tilespmem:$0x1E400] =	vst v63  }
0x23: {  	s20 =	simm.s32 $0x2;
	s19 =	sadd.s32 $0x28000, s19  }
0x24: {  	[hbm4b:s19+s18] =	stream.indirect.scatter [tilespmem:s16], [sflag:$0x3], $0x80, s4, s18, $0xb8;
	[tilespmem:$0x1E400] =	vst v63  }
0x25: {  	_ =	swait.ge [sflag:s20], $0x5000  }
0x26: {  	s21 =	simm.s32 $0x5000;
	s22 =	simm.s32 $0x19180;
	[sflag:s20] =	ssyncset.done $0x0  }
0x27: {  	s23 =	simm.s32 $0x4;
	s28 =	ssub.s32 $0x2, s26;
	[sflag:s20] =	ssyncadd.s32 $0xFFFFB000  }
0x28: {  	[tilespmem:s22], [sflag:$0x4] =	stream.indirect.gather [spmem:s3], $0x1, s8, s21, $0xb8;
	[tilespmem:$0x1E400] =	vst v63  }
0x29: {  	s29 =	sshrl.u32 s28, $0x1;
	_ =	swait.ge [sflag:s23], $0x5000  }
0x2a: {  	s28 =	ssub.s32 s28, s29;
	[sflag:s23] =	ssyncset.done $0x0  }
0x2b: {  	s24 =	sadd.s32 s24, s25;
	s25 =	simm.s32 $0x5;
	[sflag:s23] =	ssyncadd.s32 $0xFFFFB000  }
0x2c: {  	[hbm4b:s24+s6] =	stream.strided.scatter [tilespmem:s22], [sflag:$0x5], $0x5000, s7, s6, $0x38;
	[tilespmem:$0x1E400] =	vst v63  }
0x2d: {  	s28 =	smax.u32 s28, $0x1;
	_ =	swait.ge [sflag:s25], $0x5000  }
0x2e: {  	s28 =	sadd.s32 $0xFFFFFFFF, s28;
	[sflag:s25] =	ssyncset.done $0x0  }
0x2f: {  	s26 =	simm.s32 $0x3;
	p1 =	sne.s32 s28, $0x0;
	[sflag:s25] =	ssyncadd.s32 $0xFFFFB000  }
.Ltmp0:
0x30: {  	_ =	swait.ge [sflag:s26], $0xA000;
	(pc) =	sbr.rel @!p1 .LBB2_2-.Ltmp0, $4  }
0x31: {  	[sflag:s26] =	ssyncset.done $0x0  }
0x32: {  	[sflag:s26] =	ssyncadd.s32 $0xFFFF6000  }
0x33: {  	_ =	swait.ge [sflag:s26], $0xA000  }
0x34: {  	[sflag:s26] =	ssyncset.done $0x0  }
.LBB2_1:
0x35: {  	[sflag:s26] =	ssyncadd.s32 $0xFFFF6000  }
0x36: {  	[tilespmem:s8], [sflag:$0x2] =	stream.strided.gather [hbm4b:s5+s6], $0x5000, s7, s6, $0x38;
	[tilespmem:$0x1E400] =	vst v63  }
0x37: {  	[spmem:s9], [sflag:s10] =	dma.local @!p0 [hbm:s0], $0x500  }
0x38: {  	s28 =	sadd.s32 $0xFFFFFFFF, s28;
	_ =	swait.ge @!p0 [sflag:s11], $0x500  }
0x39: {  	p1 =	sne.s32 s28, $0x0;
	[sflag:s11] =	ssyncset.done @!p0 $0x0  }
0x3a: {  	[sflag:s11] =	ssyncadd.s32 @!p0 $0xFFFFFB00  }
0x3b: {  	[bflag:$0x0] =	sbarrier.arrive $0xFFFF  }
0x3c: {  	[tilespmem:s4], [sflag:$0x1] =	stream.linear.gather [hbm4b:s12+s4], $0x140, $0x38;
	[tilespmem:$0x1E400] =	vst v63  }
0x3d: {  	_ = 	snop  }
0x3e: {  	[tilespmem:s14], [sflag:$0x1] =	stream.linear.gather [hbm4b:s13+s4], $0xA000, $0x38;
	[tilespmem:$0x1E400] =	vst v63  }
0x3f: {  	_ = 	snop  }
0x40: {  	[tilespmem:s16], [sflag:$0x1] =	stream.linear.gather [hbm4b:s15+s4], $0xA000, $0x38;
	[tilespmem:$0x1E400] =	vst v63  }
0x41: {  	_ =	swait.ge [sflag:s17], $0x140  }
0x42: {  	[sflag:s17] =	ssyncset.done $0x0  }
0x43: {  	[sflag:s17] =	ssyncadd.s32 $0xFFFFFEC0  }
0x44: {  	_ =	swait.ge [sflag:s17], $0xA000  }
0x45: {  	[sflag:s17] =	ssyncset.done $0x0  }
0x46: {  	[sflag:s17] =	ssyncadd.s32 $0xFFFF6000  }
0x47: {  	_ =	swait.ge [sflag:s17], $0xA000  }
0x48: {  	[sflag:s17] =	ssyncset.done $0x0  }
0x49: {  	[sflag:s17] =	ssyncadd.s32 $0xFFFF6000  }
0x4a: {  	[hbm4b:s1+s18] =	stream.indirect.scatter [tilespmem:s14], [sflag:$0x3], $0x80, s4, s18, $0xb8;
	[tilespmem:$0x1E400] =	vst v63  }
0x4b: {  	_ = 	snop  }
0x4c: {  	[hbm4b:s19+s18] =	stream.indirect.scatter [tilespmem:s16], [sflag:$0x3], $0x80, s4, s18, $0xb8;
	[tilespmem:$0x1E400] =	vst v63  }
0x4d: {  	_ =	swait.ge [sflag:s20], $0x5000  }
0x4e: {  	[sflag:s20] =	ssyncset.done $0x0  }
0x4f: {  	[sflag:s20] =	ssyncadd.s32 $0xFFFFB000  }
0x50: {  	[tilespmem:s22], [sflag:$0x4] =	stream.indirect.gather [spmem:s3], $0x1, s8, s21, $0xb8;
	[tilespmem:$0x1E400] =	vst v63  }
0x51: {  	_ =	swait.ge [sflag:s23], $0x5000  }
0x52: {  	[sflag:s23] =	ssyncset.done $0x0  }
0x53: {  	[sflag:s23] =	ssyncadd.s32 $0xFFFFB000  }
0x54: {  	[hbm4b:s24+s6] =	stream.strided.scatter [tilespmem:s22], [sflag:$0x5], $0x5000, s7, s6, $0x38;
	[tilespmem:$0x1E400] =	vst v63  }
0x55: {  	_ =	swait.ge [sflag:s25], $0x5000  }
0x56: {  	[sflag:s25] =	ssyncset.done $0x0  }
0x57: {  	[sflag:s25] =	ssyncadd.s32 $0xFFFFB000  }
.Ltmp1:
0x58: {  	_ =	swait.ge [sflag:s26], $0xA000;
	(pc) =	sbr.rel @p1 .LBB2_1-.Ltmp1, $4  }
0x59: {  	[sflag:s26] =	ssyncset.done $0x0  }
0x5a: {  	[sflag:s26] =	ssyncadd.s32 $0xFFFF6000  }
0x5b: {  	_ =	swait.ge [sflag:s26], $0xA000  }
0x5c: {  	[sflag:s26] =	ssyncset.done $0x0  }
.LBB2_2:
0x5d: {  	[sflag:s26] =	ssyncadd.s32 $0xFFFF6000  }
0x5e: {  	_ =	sfence.sel $0x180000  }
0x5f: {  	[bflag:$0x0] =	sbarrier.arrive $0xFFFF  }
0x60: {  	_ =	strace $0x90000047  }
0x61: {  	s0 =	sadd.s32 @!p0 $0x100000, s2;
	[bflag:$0x2] =	sbarrier.arrive $0xFFFF  }
0x62: {  	[sflag:s0] =	ssyncadd.tile.s32 @!p0 $0x1;
	_ =	shalt  }
.Lfunc_end2:
_tile_overlayer_lowered:
.L_overlay_start_2:
0x63: {  	(tag) =	ssettag $0x2  }
0x64: {  	s0 =	rddreg [dreg:$0x0];
	s2 =	stileid.u32  }
0x65: {  	s1 =	rddreg [dreg:$0x1];
	p0 =	sne.s32 s2, $0x0  }
0x66: {  	s3 =	rddreg [dreg:$0x2];
	[bflag:$0x3] =	sbarrier.arrive $0xFFFF;
	s2 =	simm.s32 @!p0 $0x1C05  }
0x67: {  	[timem:s3], [sflag:s2] =	dma.local @!p0 [hbm:s0], s1  }
0x68: {  	s0 =	simm.s32 @!p0 $0x5  }
0x69: {  	_ =	swait.ge @!p0 [sflag:s0], s1  }
0x6a: {  	s1 =	ssub.s32 @!p0 $0x0, s1;
	[sflag:s0] =	ssyncset.done @!p0 $0x0  }
0x6b: {  	[sflag:s0] =	ssyncadd.s32 @!p0 s1  }
0x6c: {  	[bflag:$0x3] =	sbarrier.arrive $0xFFFF  }
0x6d: {  	_ =	shalt  }

</sc_bundles>
